<compile_context>
chip_gen: v7x
topology: tpu7x:2x2x1
jax: 0.10.2.dev20260603
libtpu: 0.0.44.dev20260713+nightly
codegen_flags: <defaults>
</compile_context>

<pallas_src>
import functools

import jax
import jax.numpy as jnp
from jax import lax
from jax.experimental import pallas as pl
from jax.experimental.pallas import tpu as pltpu
from jax.experimental.pallas import tpu_sc as plsc

B = 4096
T = 20
H = 256
D = 512
N = B * T
K = 128
N2 = N // 2
P = T * T
KP = 128

_info = plsc.get_sparse_core_info()
_NC = _info.num_cores
_NS = _info.num_subcores
_NW = _NC * _NS
_BPW = N2 // _NW
_CH = 320
_NPAIR = _BPW // (2 * _CH)

_RB = 128


def _table2_body(table_ref, w1_ref, b1_ref, w2_ref, b2_ref, out_ref):
    h = jnp.tanh(
        jnp.dot(table_ref[...], w1_ref[...], preferred_element_type=jnp.float32)
        + b1_ref[...]
    )
    t2 = jnp.dot(h, w2_ref[...], preferred_element_type=jnp.float32) + b2_ref[...]
    out_ref[...] = jnp.concatenate(
        [t2, jnp.zeros((K - T, D), jnp.float32)], axis=0
    )


def _padded_table2(table, W1, b1, W2, b2):
    return pl.pallas_call(
        _table2_body,
        out_shape=jax.ShapeDtypeStruct((K, D), jnp.float32),
    )(table, W1, b1.reshape(1, H), W2, b2.reshape(1, D))


_mesh = plsc.VectorSubcoreMesh(core_axis_name="c", subcore_axis_name="s")


@functools.partial(
    pl.kernel,
    mesh=_mesh,
    out_type=jax.ShapeDtypeStruct((N2, KP), jnp.float32),
    scratch_types=[
        pltpu.VMEM((_BPW,), jnp.int32),
        pltpu.VMEM((_CH, KP), jnp.float32),
        pltpu.VMEM((_CH, KP), jnp.float32),
        pltpu.SemaphoreType.DMA,
        pltpu.SemaphoreType.DMA,
    ],
)
def _sc_expand(oh_hbm, idx_hbm, out_hbm, idx_v, buf0, buf1, sem0, sem1):
    wid = lax.axis_index("s") * _NC + lax.axis_index("c")
    base = wid * _BPW
    pltpu.sync_copy(idx_hbm.at[pl.ds(base, _BPW)], idx_v)

    off = (wid * P).astype(jnp.int32)

    def bias(i, carry):
        p = pl.multiple_of(i * 16, 16)
        idx_v[pl.ds(p, 16)] = idx_v[pl.ds(p, 16)] + off
        return carry

    lax.fori_loop(0, _BPW // 16, bias, 0)

    def gather(row_off, buf, sem):
        return pltpu.async_copy(
            oh_hbm.at[idx_v.at[pl.ds(row_off, _CH)]], buf, sem
        )

    def drain(row_off, buf, sem):
        return pltpu.async_copy(
            buf, out_hbm.at[pl.ds(base + row_off, _CH)], sem
        )

    gather(0, buf0, sem0).wait()

    def pair(p, carry):
        off0 = pl.multiple_of(p * 2 * _CH, 2 * _CH)
        cp0 = drain(off0, buf0, sem0)
        g1 = gather(off0 + _CH, buf1, sem1)
        g1.wait()
        cp1 = drain(off0 + _CH, buf1, sem1)
        cp0.wait()

        @pl.when(p < _NPAIR - 1)
        def _():
            gather(off0 + 2 * _CH, buf0, sem0).wait()

        cp1.wait()
        return carry

    lax.fori_loop(0, _NPAIR, pair, 0)


def _select_body(oh_ref, t2_ref, out_ref):
    y = jnp.dot(
        oh_ref[...].astype(jnp.float32),
        t2_ref[...],
        preferred_element_type=jnp.float32,
    )
    out_ref[...] = y.reshape(_RB, T, D)


def _dense_out(oh, t2p):
    return pl.pallas_call(
        _select_body,
        grid=(B // _RB,),
        in_specs=[
            pl.BlockSpec((_RB * T, K), lambda i: (i, 0)),
            pl.BlockSpec((K, D), lambda i: (0, 0)),
        ],
        out_specs=pl.BlockSpec((_RB, T, D), lambda i: (i, 0, 0)),
        out_shape=jax.ShapeDtypeStruct((B, T, D), jnp.float32),
    )(oh, t2p)


def kernel(indices, table, W1, b1, W2, b2):
    t2p = _padded_table2(table, W1, b1, W2, b2)
    eyeb = jnp.eye(T, K, dtype=jnp.bfloat16)
    pair_tab = jnp.concatenate(
        [jnp.repeat(eyeb, T, axis=0), jnp.tile(eyeb, (T, 1))], axis=1
    )
    packed = lax.bitcast_convert_type(pair_tab.reshape(P, KP, 2), jnp.float32)
    oh_table = jnp.tile(packed, (_NW, 1))
    idx = indices.reshape(N2, 2)
    idx2 = idx[:, 0] * T + idx[:, 1]
    oh64 = _sc_expand(oh_table, idx2)
    oh = lax.bitcast_convert_type(oh64, jnp.bfloat16).reshape(N, K)
    return _dense_out(oh, t2p)

# --- scband reference (transcript-rebuilt; emitter-appended) ---
"""Pipeline reference for scband-augmentor-82935818486184 (READ-ONLY COPY).

The authoritative reference and input builder live on the scoring server;
editing this copy changes nothing except your own understanding.
"""

import jax, jax.numpy as jnp
import numpy as np

B = 4096
T = 20            # num_virtual_tokens
H = 256           # projection_hidden_dim
D = 512           # virtual_dim


def setup_inputs(seed: int = 0) -> dict:
    key = jax.random.key(seed)
    k1, k2, k3, k4 = jax.random.split(key, 4)
    # forward arg: indices into the virtual embedding table (in the original
    # code this is arange(T) stacked per batch element; values in [0, T))
    indices = jax.random.randint(k1, (B, T), 0, T).astype(jnp.int32)
    # learned parameters
    table = jax.random.normal(k2, (T, H), dtype=jnp.float32) * 0.02   # nn.Embedding weight
    W1 = jax.random.normal(k3, (H, H), dtype=jnp.float32) * (1.0 / np.sqrt(H))
    b1 = jnp.zeros((H,), dtype=jnp.float32)
    W2 = jax.random.normal(k4, (H, D), dtype=jnp.float32) * (1.0 / np.sqrt(H))
    b2 = jnp.zeros((D,), dtype=jnp.float32)
    return {"indices": indices, "table": table, "W1": W1, "b1": b1, "W2": W2, "b2": b2}


def reference(indices, table, W1, b1, W2, b2):
    # virtual_tokens = self.virtual_embeds(indices)
    emb = jnp.take(table, indices, axis=0)          # [B, T, H] gather
    # virtual_inputs = self.transform(virtual_tokens): Linear -> Tanh -> Linear
    h = jnp.tanh(emb @ W1 + b1)                     # [B, T, H]
    out = h @ W2 + b2                               # [B, T, D]
    return out

if __name__ == "__main__":
    import jax
    _d = setup_inputs()
    print(jax.jit(kernel)(*tuple(_d.values())))

</pallas_src>

<mosaic_0001>
#map = affine_map<(d0, d1) -> (0, 0)>
#map1 = affine_map<(d0, d1) -> (0)>
module attributes {stable_mosaic.version = 14 : i64} {
  func.func @_sc_expand(%arg0: i32, %arg1: i32, %arg2: memref<12800x128xf32, #tpu.memory_space<hbm>>, %arg3: memref<40960xi32, #tpu.memory_space<hbm>>, %arg4: memref<40960x128xf32, #tpu.memory_space<hbm>>, %arg5: memref<1280xi32, #tpu.memory_space<vmem>>, %arg6: memref<320x128xf32, #tpu.memory_space<vmem>>, %arg7: memref<320x128xf32, #tpu.memory_space<vmem>>, %arg8: memref<!tpu.dma_semaphore, #tpu.memory_space<semaphore_mem>>, %arg9: memref<!tpu.dma_semaphore, #tpu.memory_space<semaphore_mem>>) attributes {dimension_semantics = [#tpu.dimension_semantics<core_parallel>, #tpu.dimension_semantics<subcore_parallel>], iteration_bounds = array<i64: 2, 16>, scalar_prefetch = 0 : i64, scratch_operands = 5 : i64, tpu.core_type = #tpu.core_type<sc_vector_subcore>, window_params = [{transform_indices = #map}, {transform_indices = #map1}, {transform_indices = #map}]} {
    %mul3A = arith.constant 2 : i32
    %mul3A_0 = arith.muli %arg1, %mul3A : i32
    %add3A = arith.addi %mul3A_0, %arg0 : i32
    %mul3A_1 = arith.constant 1280 : i32
    %mul3A_2 = arith.muli %add3A, %mul3A_1 : i32
    "tpu.region"() ({
      %run_scoped3A = tpu.sem_alloc : memref<!tpu.dma_semaphore, #tpu.memory_space<semaphore_mem>>
      %dma_start3A_24 = tpu.memref_slice %arg3[%mul3A_2] : memref<40960xi32, #tpu.memory_space<hbm>> -> memref<1280xi32, #tpu.memory_space<hbm>>
      %dma_start3A_25 = tpu.memref_slice %arg3[%mul3A_2] : memref<40960xi32, #tpu.memory_space<hbm>> -> memref<1280xi32, #tpu.memory_space<hbm>>
      tpu.enqueue_dma source(%dma_start3A_25 : memref<1280xi32, #tpu.memory_space<hbm>>) target(%arg5 : memref<1280xi32, #tpu.memory_space<vmem>>) target_semaphore(%run_scoped3A : memref<!tpu.dma_semaphore, #tpu.memory_space<semaphore_mem>>)
      %dma_wait3A_26 = tpu.memref_slice %arg3[%mul3A_2] : memref<40960xi32, #tpu.memory_space<hbm>> -> memref<1280xi32, #tpu.memory_space<hbm>>
      %dma_wait3A_27 = tpu.memref_slice %arg3[%mul3A_2] : memref<40960xi32, #tpu.memory_space<hbm>> -> memref<1280xi32, #tpu.memory_space<hbm>>
      tpu.wait_dma2 semaphore(%run_scoped3A : memref<!tpu.dma_semaphore, #tpu.memory_space<semaphore_mem>>) src(%dma_wait3A_27 : memref<1280xi32, #tpu.memory_space<hbm>>) dst(%arg5 : memref<1280xi32, #tpu.memory_space<vmem>>)
      tpu.yield
    }) : () -> ()
    %mul3A_3 = arith.constant 400 : i32
    %mul3A_4 = arith.muli %add3A, %mul3A_3 : i32
    %scan3A = arith.constant 0 : i32
    %scan3A_5 = arith.constant 0 : i32
    %scan3A_6 = arith.constant 80 : i32
    %scan3A_7 = arith.addi %scan3A_5, %scan3A_6 : i32
    %scan3A_8 = arith.constant 1 : i32
    scf.for %scan3A_24 = %scan3A_5 to %scan3A_7 step %scan3A_8  : i32 {
      %mul3A_25 = arith.constant 16 : i32
      %mul3A_26 = arith.muli %scan3A_24, %mul3A_25 : i32
      %multiple_of3A = tpu.assume_multiple %mul3A_26, 16 : i32
      %get3A = arith.index_cast %multiple_of3A : i32 to index
      %get3A_27 = tpu.vector_load %arg5[%get3A] {strides = array<i32>} : memref<1280xi32, #tpu.memory_space<vmem>>, vector<16xi32>,
      %get3A_28 = vector.shape_cast %get3A_27 : vector<16xi32> to vector<16xi32>
      %add3A_29 = vector.broadcast %mul3A_4 : i32 to vector<16xi32>
      %add3A_30 = arith.addi %get3A_28, %add3A_29 : vector<16xi32>
      %swap3A = arith.index_cast %multiple_of3A : i32 to index
      %swap3A_31 = tpu.vector_load %arg5[%swap3A] {strides = array<i32>} : memref<1280xi32, #tpu.memory_space<vmem>>, vector<16xi32>,
      %swap3A_32 = vector.shape_cast %swap3A_31 : vector<16xi32> to vector<16xi32>
      %swap3A_33 = vector.shape_cast %add3A_30 : vector<16xi32> to vector<16xi32>
      tpu.vector_store %arg5[%swap3A], %swap3A_33 {strides = array<i32>} : memref<1280xi32, #tpu.memory_space<vmem>>, vector<16xi32>,
    }
    %scan3A_9 = arith.constant 80 : i32
    %dma_start3A = arith.constant 0 : i32
    %dma_start3A_10 = tpu.memref_slice %arg5[%dma_start3A] : memref<1280xi32, #tpu.memory_space<vmem>> -> memref<320xi32, #tpu.memory_space<vmem>>
    %dma_start3A_11 = arith.constant 0 : i32
    %dma_start3A_12 = arith.constant 0 : i32
    %dma_start3A_13 = tpu.memref_slice %arg2[%dma_start3A_11, %dma_start3A_12] : memref<12800x128xf32, #tpu.memory_space<hbm>> -> memref<12800x128xf32, #tpu.memory_space<hbm>>
    tpu.enqueue_indirect_dma source(%dma_start3A_13 : memref<12800x128xf32, #tpu.memory_space<hbm>>) target(%arg6 : memref<320x128xf32, #tpu.memory_space<vmem>>) offsets(%dma_start3A_10 : memref<320xi32, #tpu.memory_space<vmem>>) semaphore(%arg8 : memref<!tpu.dma_semaphore, #tpu.memory_space<semaphore_mem>>)
    %dma_wait3A = arith.constant 0 : i32
    %dma_wait3A_14 = tpu.memref_slice %arg5[%dma_wait3A] : memref<1280xi32, #tpu.memory_space<vmem>> -> memref<320xi32, #tpu.memory_space<vmem>>
    %dma_wait3A_15 = arith.constant 0 : i32
    %dma_wait3A_16 = arith.constant 0 : i32
    %dma_wait3A_17 = tpu.memref_slice %arg2[%dma_wait3A_15, %dma_wait3A_16] : memref<12800x128xf32, #tpu.memory_space<hbm>> -> memref<12800x128xf32, #tpu.memory_space<hbm>>
    tpu.wait_indirect_dma semaphore(%arg8 : memref<!tpu.dma_semaphore, #tpu.memory_space<semaphore_mem>>) src(%dma_wait3A_17 : memref<12800x128xf32, #tpu.memory_space<hbm>>) dst(%arg6 : memref<320x128xf32, #tpu.memory_space<vmem>>)
    %scan3A_18 = arith.constant 0 : i32
    %scan3A_19 = arith.constant 0 : i32
    %scan3A_20 = arith.constant 2 : i32
    %scan3A_21 = arith.addi %scan3A_19, %scan3A_20 : i32
    %scan3A_22 = arith.constant 1 : i32
    scf.for %scan3A_24 = %scan3A_19 to %scan3A_21 step %scan3A_22  : i32 {
      %mul3A_25 = arith.constant 2 : i32
      %mul3A_26 = arith.muli %scan3A_24, %mul3A_25 : i32
      %mul3A_27 = arith.constant 320 : i32
      %mul3A_28 = arith.muli %mul3A_26, %mul3A_27 : i32
      %multiple_of3A = tpu.assume_multiple %mul3A_28, 640 : i32
      %add3A_29 = arith.addi %mul3A_2, %multiple_of3A : i32
      %dma_start3A_30 = arith.constant 0 : i32
      %dma_start3A_31 = tpu.memref_slice %arg4[%add3A_29, %dma_start3A_30] : memref<40960x128xf32, #tpu.memory_space<hbm>> -> memref<320x128xf32, #tpu.memory_space<hbm>>
      %dma_start3A_32 = arith.constant 0 : i32
      %dma_start3A_33 = tpu.memref_slice %arg4[%add3A_29, %dma_start3A_32] : memref<40960x128xf32, #tpu.memory_space<hbm>> -> memref<320x128xf32, #tpu.memory_space<hbm>>
      tpu.enqueue_dma source(%arg6 : memref<320x128xf32, #tpu.memory_space<vmem>>) target(%dma_start3A_33 : memref<320x128xf32, #tpu.memory_space<hbm>>) target_semaphore(%arg8 : memref<!tpu.dma_semaphore, #tpu.memory_space<semaphore_mem>>)
      %add3A_34 = arith.constant 320 : i32
      %add3A_35 = arith.addi %multiple_of3A, %add3A_34 : i32
      %dma_start3A_36 = tpu.memref_slice %arg5[%add3A_35] : memref<1280xi32, #tpu.memory_space<vmem>> -> memref<320xi32, #tpu.memory_space<vmem>>
      %dma_start3A_37 = arith.constant 0 : i32
      %dma_start3A_38 = arith.constant 0 : i32
      %dma_start3A_39 = tpu.memref_slice %arg2[%dma_start3A_37, %dma_start3A_38] : memref<12800x128xf32, #tpu.memory_space<hbm>> -> memref<12800x128xf32, #tpu.memory_space<hbm>>
      tpu.enqueue_indirect_dma source(%dma_start3A_39 : memref<12800x128xf32, #tpu.memory_space<hbm>>) target(%arg7 : memref<320x128xf32, #tpu.memory_space<vmem>>) offsets(%dma_start3A_36 : memref<320xi32, #tpu.memory_space<vmem>>) semaphore(%arg9 : memref<!tpu.dma_semaphore, #tpu.memory_space<semaphore_mem>>)
      %dma_wait3A_40 = tpu.memref_slice %arg5[%add3A_35] : memref<1280xi32, #tpu.memory_space<vmem>> -> memref<320xi32, #tpu.memory_space<vmem>>
      %dma_wait3A_41 = arith.constant 0 : i32
      %dma_wait3A_42 = arith.constant 0 : i32
      %dma_wait3A_43 = tpu.memref_slice %arg2[%dma_wait3A_41, %dma_wait3A_42] : memref<12800x128xf32, #tpu.memory_space<hbm>> -> memref<12800x128xf32, #tpu.memory_space<hbm>>
      tpu.wait_indirect_dma semaphore(%arg9 : memref<!tpu.dma_semaphore, #tpu.memory_space<semaphore_mem>>) src(%dma_wait3A_43 : memref<12800x128xf32, #tpu.memory_space<hbm>>) dst(%arg7 : memref<320x128xf32, #tpu.memory_space<vmem>>)
      %add3A_44 = arith.constant 320 : i32
      %add3A_45 = arith.addi %multiple_of3A, %add3A_44 : i32
      %add3A_46 = arith.addi %mul3A_2, %add3A_45 : i32
      %dma_start3A_47 = arith.constant 0 : i32
      %dma_start3A_48 = tpu.memref_slice %arg4[%add3A_46, %dma_start3A_47] : memref<40960x128xf32, #tpu.memory_space<hbm>> -> memref<320x128xf32, #tpu.memory_space<hbm>>
      %dma_start3A_49 = arith.constant 0 : i32
      %dma_start3A_50 = tpu.memref_slice %arg4[%add3A_46, %dma_start3A_49] : memref<40960x128xf32, #tpu.memory_space<hbm>> -> memref<320x128xf32, #tpu.memory_space<hbm>>
      tpu.enqueue_dma source(%arg7 : memref<320x128xf32, #tpu.memory_space<vmem>>) target(%dma_start3A_50 : memref<320x128xf32, #tpu.memory_space<hbm>>) target_semaphore(%arg9 : memref<!tpu.dma_semaphore, #tpu.memory_space<semaphore_mem>>)
      %dma_wait3A_51 = arith.constant 0 : i32
      %dma_wait3A_52 = tpu.memref_slice %arg4[%add3A_29, %dma_wait3A_51] : memref<40960x128xf32, #tpu.memory_space<hbm>> -> memref<320x128xf32, #tpu.memory_space<hbm>>
      %dma_wait3A_53 = arith.constant 0 : i32
      %dma_wait3A_54 = tpu.memref_slice %arg4[%add3A_29, %dma_wait3A_53] : memref<40960x128xf32, #tpu.memory_space<hbm>> -> memref<320x128xf32, #tpu.memory_space<hbm>>
      tpu.wait_dma2 semaphore(%arg8 : memref<!tpu.dma_semaphore, #tpu.memory_space<semaphore_mem>>) src(%arg6 : memref<320x128xf32, #tpu.memory_space<vmem>>) dst(%dma_wait3A_54 : memref<320x128xf32, #tpu.memory_space<hbm>>)
      %lt3A = arith.constant 1 : i32
      %lt3A_55 = arith.cmpi slt, %scan3A_24, %lt3A : i32
      %convert_element_type3A = arith.extui %lt3A_55 : i1 to i32
      %cond3A = arith.constant 0 : i32
      %cond3A_56 = arith.cmpi ne, %convert_element_type3A, %cond3A : i32
      scf.if %cond3A_56 {
        %add3A_61 = arith.constant 640 : i32
        %add3A_62 = arith.addi %multiple_of3A, %add3A_61 : i32
        %dma_start3A_63 = tpu.memref_slice %arg5[%add3A_62] : memref<1280xi32, #tpu.memory_space<vmem>> -> memref<320xi32, #tpu.memory_space<vmem>>
        %dma_start3A_64 = arith.constant 0 : i32
        %dma_start3A_65 = arith.constant 0 : i32
        %dma_start3A_66 = tpu.memref_slice %arg2[%dma_start3A_64, %dma_start3A_65] : memref<12800x128xf32, #tpu.memory_space<hbm>> -> memref<12800x128xf32, #tpu.memory_space<hbm>>
        tpu.enqueue_indirect_dma source(%dma_start3A_66 : memref<12800x128xf32, #tpu.memory_space<hbm>>) target(%arg6 : memref<320x128xf32, #tpu.memory_space<vmem>>) offsets(%dma_start3A_63 : memref<320xi32, #tpu.memory_space<vmem>>) semaphore(%arg8 : memref<!tpu.dma_semaphore, #tpu.memory_space<semaphore_mem>>)
        %dma_wait3A_67 = tpu.memref_slice %arg5[%add3A_62] : memref<1280xi32, #tpu.memory_space<vmem>> -> memref<320xi32, #tpu.memory_space<vmem>>
        %dma_wait3A_68 = arith.constant 0 : i32
        %dma_wait3A_69 = arith.constant 0 : i32
        %dma_wait3A_70 = tpu.memref_slice %arg2[%dma_wait3A_68, %dma_wait3A_69] : memref<12800x128xf32, #tpu.memory_space<hbm>> -> memref<12800x128xf32, #tpu.memory_space<hbm>>
        tpu.wait_indirect_dma semaphore(%arg8 : memref<!tpu.dma_semaphore, #tpu.memory_space<semaphore_mem>>) src(%dma_wait3A_70 : memref<12800x128xf32, #tpu.memory_space<hbm>>) dst(%arg6 : memref<320x128xf32, #tpu.memory_space<vmem>>)
      } else {
      }
      %dma_wait3A_57 = arith.constant 0 : i32
      %dma_wait3A_58 = tpu.memref_slice %arg4[%add3A_46, %dma_wait3A_57] : memref<40960x128xf32, #tpu.memory_space<hbm>> -> memref<320x128xf32, #tpu.memory_space<hbm>>
      %dma_wait3A_59 = arith.constant 0 : i32
      %dma_wait3A_60 = tpu.memref_slice %arg4[%add3A_46, %dma_wait3A_59] : memref<40960x128xf32, #tpu.memory_space<hbm>> -> memref<320x128xf32, #tpu.memory_space<hbm>>
      tpu.wait_dma2 semaphore(%arg9 : memref<!tpu.dma_semaphore, #tpu.memory_space<semaphore_mem>>) src(%arg7 : memref<320x128xf32, #tpu.memory_space<vmem>>) dst(%dma_wait3A_60 : memref<320x128xf32, #tpu.memory_space<hbm>>)
    }
    %scan3A_23 = arith.constant 2 : i32
    return
  }
}

module attributes {stable_mosaic.version = 14 : i64} {
  func.func @_table2_body(%arg0: memref<20x256xf32, #tpu.memory_space<vmem>>, %arg1: memref<256x256xf32, #tpu.memory_space<vmem>>, %arg2: memref<1x256xf32, #tpu.memory_space<vmem>>, %arg3: memref<256x512xf32, #tpu.memory_space<vmem>>, %arg4: memref<1x512xf32, #tpu.memory_space<vmem>>, %arg5: memref<128x512xf32, #tpu.memory_space<vmem>>) attributes {dimension_semantics = [], scalar_prefetch = 0 : i64, scratch_operands = 0 : i64, tpu.core_type = #tpu.core_type<tc>} {
    %get3A = arith.constant 0 : index
    %get3A_0 = arith.constant 0 : index
    %get3A_1 = vector.load %arg0[%get3A, %get3A_0] : memref<20x256xf32, #tpu.memory_space<vmem>>, vector<20x256xf32>
    %get3A_2 = arith.constant 0 : index
    %get3A_3 = arith.constant 0 : index
    %get3A_4 = vector.load %arg1[%get3A_2, %get3A_3] : memref<256x256xf32, #tpu.memory_space<vmem>>, vector<256x256xf32>
    %dot_general3A = arith.constant dense<0.000000e+00> : vector<20x256xf32>
    %dot_general3A_5 = tpu.matmul %get3A_1, %get3A_4, %dot_general3A {dimension_numbers = #tpu.dot_dimension_numbers<[1], [0], [0], [1], [0, 0, 1, 1], [], []>, transpose_lhs_hint = false} : vector<20x256xf32>, vector<256x256xf32>, vector<20x256xf32> -> vector<20x256xf32>
    %get3A_6 = arith.constant 0 : index
    %get3A_7 = arith.constant 0 : index
    %get3A_8 = vector.load %arg2[%get3A_6, %get3A_7] : memref<1x256xf32, #tpu.memory_space<vmem>>, vector<1x256xf32>
    %add3A = vector.broadcast %get3A_8 : vector<1x256xf32> to vector<20x256xf32>
    %add3A_9 = arith.addf %dot_general3A_5, %add3A : vector<20x256xf32>
    %tanh3A = math.tanh %add3A_9 : vector<20x256xf32>
    %get3A_10 = arith.constant 0 : index
    %get3A_11 = arith.constant 0 : index
    %get3A_12 = vector.load %arg3[%get3A_10, %get3A_11] : memref<256x512xf32, #tpu.memory_space<vmem>>, vector<256x512xf32>
    %dot_general3A_13 = arith.constant dense<0.000000e+00> : vector<20x512xf32>
    %dot_general3A_14 = tpu.matmul %tanh3A, %get3A_12, %dot_general3A_13 {dimension_numbers = #tpu.dot_dimension_numbers<[1], [0], [0], [1], [0, 0, 1, 1], [], []>, transpose_lhs_hint = false} : vector<20x256xf32>, vector<256x512xf32>, vector<20x512xf32> -> vector<20x512xf32>
    %get3A_15 = arith.constant 0 : index
    %get3A_16 = arith.constant 0 : index
    %get3A_17 = vector.load %arg4[%get3A_15, %get3A_16] : memref<1x512xf32, #tpu.memory_space<vmem>>, vector<1x512xf32>
    %add3A_18 = vector.broadcast %get3A_17 : vector<1x512xf32> to vector<20x512xf32>
    %add3A_19 = arith.addf %dot_general3A_14, %add3A_18 : vector<20x512xf32>
    %broadcast_in_dim3A = arith.constant 0.000000e+00 : f32
    %broadcast_in_dim3A_20 = vector.broadcast %broadcast_in_dim3A : f32 to vector<108x512xf32>
    %concatenate3A = tpu.concatenate %add3A_19, %broadcast_in_dim3A_20 in 0 : vector<20x512xf32>, vector<108x512xf32> -> vector<128x512xf32>
    %swap3A = arith.constant 0 : index
    %swap3A_21 = arith.constant 0 : index
    %swap3A_22 = vector.load %arg5[%swap3A, %swap3A_21] : memref<128x512xf32, #tpu.memory_space<vmem>>, vector<128x512xf32>
    tpu.vector_store %arg5[%swap3A, %swap3A_21], %concatenate3A {strides = array<i32>} : memref<128x512xf32, #tpu.memory_space<vmem>>, vector<128x512xf32>,
    return
  }
}

module attributes {stable_mosaic.version = 14 : i64} {
  func.func @_select_body(%arg0: i32, %arg1: memref<2560x128xbf16, #tpu.memory_space<vmem>>, %arg2: memref<128x512xf32, #tpu.memory_space<vmem>>, %arg3: memref<128x20x512xf32, #tpu.memory_space<vmem>>) attributes {dimension_semantics = [#tpu.dimension_semantics<arbitrary>], iteration_bounds = array<i64: 32>, scalar_prefetch = 0 : i64, scratch_operands = 0 : i64, tpu.core_type = #tpu.core_type<tc>, window_params = [{transform_indices = @transform_0, window_bounds = array<i64: 2560, 128>}, {pipeline_mode = #tpu.pipeline_mode<synchronous>, transform_indices = @transform_1, window_bounds = array<i64: 128, 512>}, {transform_indices = @transform_2, window_bounds = array<i64: 128, 20, 512>}]} {
    %get3A = arith.constant 0 : index
    %get3A_0 = arith.constant 0 : index
    %get3A_1 = vector.load %arg1[%get3A, %get3A_0] : memref<2560x128xbf16, #tpu.memory_space<vmem>>, vector<2560x128xbf16>
    %convert_element_type3A = arith.extf %get3A_1 : vector<2560x128xbf16> to vector<2560x128xf32>
    %get3A_2 = arith.constant 0 : index
    %get3A_3 = arith.constant 0 : index
    %get3A_4 = vector.load %arg2[%get3A_2, %get3A_3] : memref<128x512xf32, #tpu.memory_space<vmem>>, vector<128x512xf32>
    %dot_general3A = arith.constant dense<0.000000e+00> : vector<2560x512xf32>
    %dot_general3A_5 = tpu.matmul %convert_element_type3A, %get3A_4, %dot_general3A {dimension_numbers = #tpu.dot_dimension_numbers<[1], [0], [0], [1], [0, 0, 1, 1], [], []>, transpose_lhs_hint = false} : vector<2560x128xf32>, vector<128x512xf32>, vector<2560x512xf32> -> vector<2560x512xf32>
    %reshape3A = vector.shape_cast %dot_general3A_5 : vector<2560x512xf32> to vector<128x20x512xf32>
    %swap3A = arith.constant 0 : index
    %swap3A_6 = arith.constant 0 : index
    %swap3A_7 = arith.constant 0 : index
    %swap3A_8 = vector.load %arg3[%swap3A, %swap3A_6, %swap3A_7] : memref<128x20x512xf32, #tpu.memory_space<vmem>>, vector<128x20x512xf32>
    tpu.vector_store %arg3[%swap3A, %swap3A_6, %swap3A_7], %reshape3A {strides = array<i32>} : memref<128x20x512xf32, #tpu.memory_space<vmem>>, vector<128x20x512xf32>,
    return
  }
  func.func @transform_0(%arg0: i32) -> (i32, i32) {
    %c0_i32 = arith.constant 0 : i32
    %c0_i32_0 = arith.constant 0 : i32
    return %arg0, %c0_i32 : i32, i32
  }
  func.func @transform_1(%arg0: i32) -> (i32, i32) {
    %c0_i32 = arith.constant 0 : i32
    %c0_i32_0 = arith.constant 0 : i32
    %c0_i32_1 = arith.constant 0 : i32
    return %c0_i32, %c0_i32_0 : i32, i32
  }
  func.func @transform_2(%arg0: i32) -> (i32, i32, i32) {
    %c0_i32 = arith.constant 0 : i32
    %c0_i32_0 = arith.constant 0 : i32
    %c0_i32_1 = arith.constant 0 : i32
    return %arg0, %c0_i32, %c0_i32_0 : i32, i32, i32
  }
}

</mosaic_0001>

<sc_bundles>
// kernel: kernel.5.cloned.1.call-start
scs
__scs_entry_jumppad:
0x0: {  	(pc) =	sbr.rel $0x88, $3  }
0x1: {  	(tag) =	ssettag $0x0;
	lr =	simm.s32 $0x1  }
0x2: {  	[smem:$0x3F9B] =	sst lr;
	_ =	strace $0xD0000000  }
0x3: {  	_ = 	snop  }
0x4: {  	_ = 	snop  }
0x5: {  	_ = 	snop  }
0x6: {  	_ = 	snop  }
0x7: {  	_ = 	snop  }
__scs_overlays_trampoline_lowered:
0x8: {  	[smem:$0x3FAA] =	sst s0  }
0x9: {  	[smem:$0x3FAB] =	sst s1  }
0xa: {  	[smem:$0x3FAC] =	sst s2  }
0xb: {  	[smem:$0x3FAD] =	sst s3  }
0xc: {  	[smem:$0x3FAE] =	sst s4  }
0xd: {  	[smem:$0x3FAF] =	sst s5  }
0xe: {  	[smem:$0x3FB0] =	sst s6  }
0xf: {  	[smem:$0x3FB1] =	sst s7  }
0x10: {  	[smem:$0x3FB2] =	sst s8  }
0x11: {  	[smem:$0x3FB3] =	sst s9;
	s0 =	simm.s32 @!p0 $0x0  }
0x12: {  	s1 =	sld [smem:$0x3F99];
	s0 =	simm.s32 @p0 $0x1  }
0x13: {  	[smem:$0x3FB4] =	sst s0;
	s0 =	simm.s32 @!p1 $0x0  }
0x14: {  	s2 =	sld [smem:$0x3F98];
	s0 =	simm.s32 @p1 $0x1  }
0x15: {  	[smem:$0x3FB5] =	sst s0;
	s0 =	simm.s32 @!p2 $0x0  }
0x16: {  	s3 =	sld [smem:$0x3FDB];
	s0 =	simm.s32 @p2 $0x1  }
0x17: {  	s4 =	simm.s32 $0x1BF5;
	[smem:$0x3FB7] =	sst s0  }
0x18: {  	s0 =	sld [smem:$0x3F9A];
	_ =	swait.ge [sflag:s4], $0x0  }
0x19: {  	s7 =	sld [smem:$0x3F9B]  }
0x1a: {  	s8 =	sadd.s32 $0xFFFFE003, lr  }
0x1b: {  	s9 =	sadd.s32 $0xFFFFFEF7, lr;
	s5 =	simm.s32 $0xFFFFFFFF;
	p2 =	slt.u32 s8, $0xFFFFF086  }
0x1c: {  	p1 =	slt.u32 s9, $0xF7A;
	s5 =	simm.s32 @!p2 $0x0  }
0x1d: {  	s5 =	simm.s32 @p1 $0x1;
	p0 =	seq.s32 s7, s2  }
0x1e: {  	s7 =	smul.u32 @!p0 $0xF7A, s2;
	p2 =	seq.s32 @!p0 s5, $0x0  }
0x1f: {  	s9 =	smul.u32 $0xF7A, s1;
	s8 =	simm.s32 @!p0 $0x1BF5;
	p2 =	por !p2, p0  }
0x20: {  	[sflag:s8] =	ssyncset.s32 @!p0 $0xFFFFF086;
	s6 =	sadd.s32 @!p0 s3, s7;
	s7 =	simm.s32 @!p0 $0x108  }
0x21: {  	s3 =	sadd.s32 s3, s9;
	s6 =	sadd.s32 @!p0 $0x88, s6;
	s7 =	simm.s32 @p2 $0x1082  }
0x22: {  	[simem:s7], [sflag:s8] =	dma.local @!p0 [hbm:s6], $0xF7A  }
0x23: {  	s9 =	sor.u32 $0xD0000000, s2;
	s6 =	simm.s32 $0x108;
	_ =	swait.ge @!p0 [sflag:s8], $0x0  }
0x24: {  	s3 =	sadd.s32 $0x88, s3;
	s6 =	simm.s32 @!p1 $0x1082;
	[sflag:s4] =	ssyncset.s32 $0xFFFFF086  }
0x25: {  	[simem:s6], [sflag:s4] =	dma.local [hbm:s3], $0xF7A  }
0x26: {  	[smem:$0x3F9B] =	sst s1;
	(tag) =	ssettag s2;
	_ =	strace s9  }
0x27: {  	s1 =	sld [smem:$0x3FAB]  }
0x28: {  	s2 =	sld [smem:$0x3FAC]  }
0x29: {  	s4 =	sld [smem:$0x3FAE]  }
0x2a: {  	p0 =	seq.s32 s5, $0x0;
	s5 =	sld [smem:$0x3FAF]  }
0x2b: {  	s6 =	sld [smem:$0x3FB0]  }
0x2c: {  	s7 =	sld [smem:$0x3FB1]  }
0x2d: {  	s3 =	simm.s32 $0x108;
	s8 =	sld [smem:$0x3FB2]  }
0x2e: {  	s3 =	simm.s32 @!p0 $0x1082;
	s9 =	sld [smem:$0x3FB3]  }
0x2f: {  	lr =	sadd.s32 s0, s3;
	s0 =	sld [smem:$0x3FAA]  }
0x30: {  	s3 =	sld [smem:$0x3FAD]  }
0x31: {  	[smem:$0x3FB6] =	sst s10  }
0x32: {  	s10 =	sld [smem:$0x3FB4];
	_ =	sdelay $0x3  }
0x33: {  	p0 =	seq.s32 s10, $0x1;
	s10 =	sld [smem:$0x3FB6];
	_ =	sdelay $0x3  }
0x34: {  	[smem:$0x3FB6] =	sst s10  }
0x35: {  	s10 =	sld [smem:$0x3FB5];
	_ =	sdelay $0x3  }
0x36: {  	p1 =	seq.s32 s10, $0x1;
	s10 =	sld [smem:$0x3FB6];
	_ =	sdelay $0x3  }
0x37: {  	[smem:$0x3FB6] =	sst s10  }
0x38: {  	s10 =	sld [smem:$0x3FB7]  }
0x39: {  	_ = 	snop;
	(pc) =	sbr.ind lr, $3  }
0x3a: {  	_ = 	snop  }
0x3b: {  	_ = 	snop  }
0x3c: {  	p2 =	seq.s32 s10, $0x1;
	s10 =	sld [smem:$0x3FB6]  }
0x3d: {  	_ =	shalt  }
0x3e: {  	_ =	shalt  }
0x3f: {  	_ =	shalt  }
0x40: {  	_ =	shalt  }
0x41: {  	_ =	shalt  }
0x42: {  	_ =	shalt  }
0x43: {  	_ =	shalt  }
0x44: {  	_ =	shalt  }
0x45: {  	_ =	shalt  }
0x46: {  	_ =	shalt  }
0x47: {  	_ =	shalt  }
0x48: {  	_ =	shalt  }
0x49: {  	_ =	shalt  }
0x4a: {  	_ =	shalt  }
0x4b: {  	_ =	shalt  }
0x4c: {  	_ =	shalt  }
0x4d: {  	_ =	shalt  }
0x4e: {  	_ =	shalt  }
0x4f: {  	_ =	shalt  }
0x50: {  	_ =	shalt  }
0x51: {  	_ =	shalt  }
0x52: {  	_ =	shalt  }
0x53: {  	_ =	shalt  }
0x54: {  	_ =	shalt  }
0x55: {  	_ =	shalt  }
0x56: {  	_ =	shalt  }
0x57: {  	_ =	shalt  }
0x58: {  	_ =	shalt  }
0x59: {  	_ =	shalt  }
0x5a: {  	_ =	shalt  }
0x5b: {  	_ =	shalt  }
0x5c: {  	_ =	shalt  }
0x5d: {  	_ =	shalt  }
0x5e: {  	_ =	shalt  }
0x5f: {  	_ =	shalt  }
0x60: {  	_ =	shalt  }
0x61: {  	_ =	shalt  }
0x62: {  	_ =	shalt  }
0x63: {  	_ =	shalt  }
0x64: {  	_ =	shalt  }
0x65: {  	_ =	shalt  }
0x66: {  	_ =	shalt  }
0x67: {  	_ =	shalt  }
0x68: {  	_ =	shalt  }
0x69: {  	_ =	shalt  }
0x6a: {  	_ =	shalt  }
0x6b: {  	_ =	shalt  }
0x6c: {  	_ =	shalt  }
0x6d: {  	_ =	shalt  }
0x6e: {  	_ =	shalt  }
0x6f: {  	_ =	shalt  }
0x70: {  	_ =	shalt  }
0x71: {  	_ =	shalt  }
0x72: {  	_ =	shalt  }
0x73: {  	_ =	shalt  }
0x74: {  	_ =	shalt  }
0x75: {  	_ =	shalt  }
0x76: {  	_ =	shalt  }
0x77: {  	_ =	shalt  }
0x78: {  	_ =	shalt  }
0x79: {  	_ =	shalt  }
0x7a: {  	_ =	shalt  }
0x7b: {  	_ =	shalt  }
0x7c: {  	_ =	shalt  }
0x7d: {  	_ =	shalt  }
0x7e: {  	_ =	shalt  }
0x7f: {  	_ =	shalt  }
0x80: {  	_ =	shalt  }
0x81: {  	_ =	shalt  }
0x82: {  	_ =	shalt  }
0x83: {  	_ =	shalt  }
0x84: {  	_ =	shalt  }
0x85: {  	_ =	shalt  }
0x86: {  	_ =	shalt  }
0x87: {  	_ =	shalt  }
.Lfunc_end0:
.L_simem_size_0:
called_computation_lowered:
.L_overlay_start_0:
0x88: {  	s2 =	sld [smem:$0x3FD9]  }
0x89: {  	s3 =	sld [smem:$0x3FFE];
	_ =	sdelay $0x1  }
0x8a: {  	s1 =	srdreg.scid  }
0x8b: {  	s0 =	sand.u32 $0x1, s1  }
0x8c: {  	s17 =	sshll.u32 s0, $0xA;
	s2 =	sadd.s32 s3, s2  }
0x8d: {  	s2 =	sadd.s32 s2, s17  }
0x8e: {  	[smem:$0x3FC2] =	sst s2  }
0x8f: {  	_ = 	snop  }
0x90: {  	s2 =	sld [smem:$0x3FD0];
	(tm) =	ssettm $0x1  }
0x91: {  	s18 =	sld [smem:$0x3FFB];
	_ =	sdelay $0x3  }
0x92: {  	_ =	strace s18  }
0x93: {  	s3 =	sld [smem:$0x3FFC];
	_ =	sdelay $0x3  }
0x94: {  	_ =	strace s3  }
0x95: {  	s3 =	sld [smem:$0x3FFD];
	_ =	sdelay $0x3  }
0x96: {  	_ =	strace s3  }
0x97: {  	_ =	strace $0x8FFFFFFF  }
0x98: {  	s19 =	sld [smem:$0x3FDB];
	_ =	sdelay $0x1  }
0x99: {  	s4 =	simm.s32 $_scs_section_size  }
0x9a: {  	s5 =	simm.s32 $_size__tile_overlayer_lowered;
	s6 =	simm.s32 $_tile_overlayer_lowered  }
0x9b: {  	s22 =	simm.s32 $0x1BFF;
	s21 =	sshll.u32 s6, $0x1;
	s3 =	sadd.s32 s4, s19  }
0x9c: {  	s7 =	simm.s32 $0x0;
	s20 =	sshll.u32 s5, $0x1;
	s5 =	sadd.s32 s21, s3  }
0x9d: {  	[timem:s7], [sflag:s22] =	dma.local [hbm:s5], s20  }
0x9e: {  	_ =	swait.ge [sflag:s22], s20  }
0x9f: {  	s4 =	ssub.s32 $0x0, s20;
	[sflag:s22] =	ssyncset.done $0x0  }
0xa0: {  	[sflag:s22] =	ssyncadd.s32 s4;
	_ =	sdelay $0x1  }
0xa1: {  	s23 =	simm.s32 $0x1B8B  }
0xa2: {  	_ =	swait.ge [sflag:s23], $0x1  }
0xa3: {  	[sflag:s23] =	ssyncset.done $0x0  }
0xa4: {  	s25 =	simm.s32 $0x1B8E;
	s24 =	sld [smem:$0x3FFE];
	[sflag:s23] =	ssyncadd.s32 $0xFFFFFFFF  }
0xa5: {  	s26 =	simm.s32 $execute0_lowered;
	[smem:$0x3FD2] =	sst s25  }
0xa6: {  	s5 =	sshll.u32 s26, $0x1;
	_ =	strace $0x80000046;
	[dreg:$0x1] =	wrdreg $0xFFFFFFFF  }
0xa7: {  	s28 =	simm.s32 $_size_execute0_lowered;
	s3 =	sadd.s32 s3, s5;
	[dreg:$0x0] =	wrdreg $0x0  }
0xa8: {  	s5 =	sshll.u32 s28, $0x1;
	[dreg:$0x2] =	wrdreg s3  }
0xa9: {  	[dreg:$0x3] =	wrdreg s5  }
0xaa: {  	[dreg:$0x4] =	wrdreg $0xC0  }
0xab: {  	_ =	task [dreg:s7], $0x5FFFF  }
0xac: {  	[dreg:$0x1] =	wrdreg $0xFFFFFFFF  }
0xad: {  	[dreg:$0x0] =	wrdreg $0x60  }
0xae: {  	[dreg:$0x2] =	wrdreg s24  }
0xaf: {  	[dreg:$0x3] =	wrdreg s2  }
0xb0: {  	[dreg:$0x4] =	wrdreg $0x9  }
0xb1: {  	_ =	task.clear_ibuf [dreg:s7], $0x5FFFF;
	_ =	strace $0x90000046  }
0xb2: {  	s29 =	simm.s32 $0x9;
	_ =	strace $0x80000048  }
0xb3: {  	_ =	swait.ge [sflag:s29], $0x1  }
0xb4: {  	[sflag:s29] =	ssyncadd.s32 $0xFFFFFFFF  }
0xb5: {  	_ =	strace $0x90000048  }
0xb6: {  	_ =	sfence  }
0xb7: {  	s30 =	sld [smem:$0x0];
	_ =	sdelay $0x2  }
0xb8: {  	s31 =	sshll.u32 s1, $0xD;
	s1 =	sshrl.u32 s1, $0x2  }
0xb9: {  	s3 =	sand.u32 $0x4000, s31;
	s1 =	sadd.s32 s1, s30  }
0xba: {  	s0 =	sor.u32 s3, s0;
	s1 =	sshll.u32 s1, $0x11  }
0xbb: {  	s0 =	sor.u32 s1, s0  }
0xbc: {  	s0 =	sadd.s32 $0x8F2B, s0  }
0xbd: {  	[sflag:s0] =	ssyncadd.remote.s32 $0x1  }
0xbe: {  	_ =	sfence.sel $0xFFFF  }
0xbf: {  	[dreg:$0x0] =	wrdreg $0xFFFFFFFF;
	(pc) =	sbr.abs _section_cstart, $3  }
0xc0: {  	[dreg:$0x1] =	wrdreg $0xFFFFFFFF  }
0xc1: {  	_ =	task.clear_ibuf [dreg:s7], $0x2FFFF;
	_ =	strace $0x9FFFFFFF  }
0xc2: {  	(tm) =	ssettm $0x7FFFFFFF  }
0xc3: {  	_ =	shalt  }
tec
execute0_lowered:
.L_overlay_start_1:
0x0: {  	(tag) =	ssettag $0x1  }
0x1: {  	s3 =	rddreg [dreg:$0x0];
	s1 =	srdreg.scid  }
0x2: {  	s0 =	stileid.u32;
	s6 =	rddreg [dreg:$0x1]  }
0x3: {  	s2 =	simm.s32 $0x0;
	s10 =	simm.s32 $0x3;
	s11 =	simm.s32 $0x140  }
0x4: {  	s12 =	simm.s32 $0x500;
	s13 =	simm.s32 $0x1;
	s14 =	simm.s32 $0xA500  }
0x5: {  	s15 =	simm.s32 $0x2;
	s4 =	sand.u32 $0x1, s1;
	s5 =	sshll.u32 s0, $0x1  }
0x6: {  	s17 =	simm.s32 $0x3C0;
	s18 =	simm.s32 $0x0;
	s5 =	sor.u32 s4, s5  }
0x7: {  	s1 =	rddreg [dreg:$0x2];
	s4 =	ssub.s32 $0x2, s4;
	s7 =	smul.u32 $0xA0, s5  }
0x8: {  	[smem:$0x7FF] =	sst s2;
	s8 =	sshrl.u32 s4, $0x1;
	s9 =	smul.u32 $0x5000, s5  }
0x9: {  	_ =	strace $0x80000047;
	s16 =	smul.u32 $0x190, s5;
	s8 =	ssub.s32 s4, s8  }
0xa: {  	s7 =	sadd.s32 s7, s3;
	s3 =	sadd.s32 $0x1C00, s3;
	s5 =	smax.u32 s8, $0x1  }
0xb: {  	s6 =	sadd.s32 s6, s9;
	v0 =	vmov s16;
	s16 =	simm.s32 $0x280;
	s4 =	sadd.s32 $0x800, s7  }
0xc: {  	s7 =	sadd.s32 $0x1400, s6;
	s8 =	sadd.s32 $0x2800, s6;
	s9 =	sadd.s32 $0x3C00, s6  }
.LBB2_1:
0xd: {  	[tilespmem:s2], [sflag:$0x3] =	stream.linear.gather [hbm4b:s4+s2], $0x500, $0x38;
	[tilespmem:$0x14500] =	vst v63  }
0xe: {  	_ =	swait.ge [sflag:s10], $0x500  }
0xf: {  	[sflag:s10] =	ssyncset.done $0x0  }
0x10: {  	s19 =	simm.s32 $0x0;
	s20 =	simm.s32 $0x40;
	[sflag:s10] =	ssyncadd.s32 $0xFFFFFB00  }
.LBB2_2:
0x11: {  	p0 =	sne.s32 s20, $0x13C0;
	v1 =	vld [tilespmem:s19+$0x0];
	_ =	sdelay $0x1  }
.Ltmp0:
0x12: {  	(pc) =	sbr.rel @p0 .LBB2_2-.Ltmp0, $3  }
0x13: {  	_ =	sdelay $0x1  }
0x14: {  	v1 =	vadd.s32 v0, v1  }
0x15: {  	[tilespmem:s19+$0x0] =	vst v1;
	s19 =	sshra.s32 s20, $0x2;
	s20 =	sadd.s32 $0x40, s20  }
0x16: {  	v1 =	vld [tilespmem:s19+$0x0];
	_ =	sdelay $0x4  }
0x17: {  	v1 =	vadd.s32 v0, v1  }
0x18: {  	[tilespmem:s19+$0x0] =	vst v1  }
0x19: {  	[tilespmem:s12], [sflag:$0x1] =	stream.indirect.gather [hbm4b:s3+s11], $0x80, s2, s11, $0xb8;
	[tilespmem:$0x14500] =	vst v63  }
0x1a: {  	_ =	swait.ge [sflag:s13], $0xA000  }
0x1b: {  	[sflag:s13] =	ssyncset.done $0x0  }
0x1c: {  	[sflag:s13] =	ssyncadd.s32 $0xFFFF6000  }
0x1d: {  	[hbm4b:s6+s2] =	stream.linear.scatter [tilespmem:s12], [sflag:$0x1], $0xA000, $0x38;
	[tilespmem:$0x14500] =	vst v63  }
0x1e: {  	_ = 	snop  }
0x1f: {  	[tilespmem:s14], [sflag:$0x2] =	stream.indirect.gather [hbm4b:s3+s11], $0x80, s11, s11, $0xb8;
	[tilespmem:$0x14500] =	vst v63  }
0x20: {  	_ =	swait.ge [sflag:s15], $0xA000  }
0x21: {  	[sflag:s15] =	ssyncset.done $0x0  }
0x22: {  	[sflag:s15] =	ssyncadd.s32 $0xFFFF6000  }
0x23: {  	[hbm4b:s7+s2] =	stream.linear.scatter [tilespmem:s14], [sflag:$0x2], $0xA000, $0x38;
	[tilespmem:$0x14500] =	vst v63  }
0x24: {  	_ =	swait.ge [sflag:s13], $0xA000  }
0x25: {  	[sflag:s13] =	ssyncset.done $0x0  }
0x26: {  	[sflag:s13] =	ssyncadd.s32 $0xFFFF6000  }
0x27: {  	[tilespmem:s12], [sflag:$0x1] =	stream.indirect.gather [hbm4b:s3+s11], $0x80, s16, s11, $0xb8;
	[tilespmem:$0x14500] =	vst v63  }
0x28: {  	_ =	swait.ge [sflag:s13], $0xA000  }
0x29: {  	[sflag:s13] =	ssyncset.done $0x0  }
0x2a: {  	[sflag:s13] =	ssyncadd.s32 $0xFFFF6000  }
0x2b: {  	_ =	swait.ge [sflag:s15], $0xA000  }
0x2c: {  	[sflag:s15] =	ssyncset.done $0x0  }
0x2d: {  	[sflag:s15] =	ssyncadd.s32 $0xFFFF6000  }
0x2e: {  	[hbm4b:s8+s2] =	stream.linear.scatter [tilespmem:s12], [sflag:$0x1], $0xA000, $0x38;
	[tilespmem:$0x14500] =	vst v63  }
0x2f: {  	_ = 	snop  }
0x30: {  	[tilespmem:s14], [sflag:$0x2] =	stream.indirect.gather [hbm4b:s3+s11], $0x80, s17, s11, $0xb8;
	[tilespmem:$0x14500] =	vst v63  }
0x31: {  	_ =	swait.ge [sflag:s15], $0xA000  }
0x32: {  	[sflag:s15] =	ssyncset.done $0x0  }
0x33: {  	s18 =	sadd.s32 $0x1, s18;
	[sflag:s15] =	ssyncadd.s32 $0xFFFF6000  }
0x34: {  	[hbm4b:s9+s2] =	stream.linear.scatter [tilespmem:s14], [sflag:$0x2], $0xA000, $0x38;
	[tilespmem:$0x14500] =	vst v63  }
0x35: {  	p0 =	sne.s32 s18, s5;
	_ =	swait.ge [sflag:s13], $0xA000  }
.Ltmp1:
0x36: {  	[sflag:s13] =	ssyncset.done $0x0;
	(pc) =	sbr.rel @p0 .LBB2_1-.Ltmp1, $4  }
0x37: {  	[sflag:s13] =	ssyncadd.s32 $0xFFFF6000  }
0x38: {  	_ =	swait.ge [sflag:s15], $0xA000  }
0x39: {  	[sflag:s15] =	ssyncset.done $0x0  }
0x3a: {  	[sflag:s15] =	ssyncadd.s32 $0xFFFF6000  }
0x3b: {  	_ =	sfence.sel $0x180000  }
0x3c: {  	[bflag:$0x0] =	sbarrier.arrive $0xFFFF  }
0x3d: {  	p0 =	sne.s32 s0, $0x0;
	_ =	strace $0x90000047  }
0x3e: {  	s0 =	sadd.s32 @!p0 $0x100000, s1;
	[bflag:$0x2] =	sbarrier.arrive $0xFFFF  }
0x3f: {  	[sflag:s0] =	ssyncadd.tile.s32 @!p0 $0x1;
	_ =	shalt  }
.Lfunc_end2:
_tile_overlayer_lowered:
.L_overlay_start_2:
0x40: {  	(tag) =	ssettag $0x2  }
0x41: {  	s0 =	rddreg [dreg:$0x0];
	s2 =	stileid.u32  }
0x42: {  	s1 =	rddreg [dreg:$0x1];
	p0 =	sne.s32 s2, $0x0  }
0x43: {  	s3 =	rddreg [dreg:$0x2];
	[bflag:$0x3] =	sbarrier.arrive $0xFFFF;
	s2 =	simm.s32 @!p0 $0x1C03  }
0x44: {  	[timem:s3], [sflag:s2] =	dma.local @!p0 [hbm:s0], s1  }
0x45: {  	s0 =	simm.s32 @!p0 $0x3  }
0x46: {  	_ =	swait.ge @!p0 [sflag:s0], s1  }
0x47: {  	s1 =	ssub.s32 @!p0 $0x0, s1;
	[sflag:s0] =	ssyncset.done @!p0 $0x0  }
0x48: {  	[sflag:s0] =	ssyncadd.s32 @!p0 s1  }
0x49: {  	[bflag:$0x3] =	sbarrier.arrive $0xFFFF  }
0x4a: {  	_ =	shalt  }

</sc_bundles>
